<compile_context>
chip_gen: v7x
topology: tpu7x:2x2x1
jax: 0.10.2.dev20260603
libtpu: 0.0.44.dev20260713+nightly
codegen_flags: <defaults>
</compile_context>

<pallas_src>
import functools

import jax
import jax.numpy as jnp
from jax import lax
from jax.experimental import pallas as pl
from jax.experimental.pallas import tpu as pltpu
from jax.experimental.pallas import tpu_sc as plsc

_LOG2 = 0.6931471805599453
_K = 80


def _ssp(x):
    return jnp.maximum(x, 0.0) + jnp.log1p(jnp.exp(-jnp.abs(x))) - _LOG2


def _filters_body(e_ref, w1_ref, b1_ref, w2_ref, b2_ref, o_ref):
    h = jnp.dot(e_ref[...], w1_ref[...], preferred_element_type=jnp.float32)
    h = _ssp(h + b1_ref[...])
    h = jnp.dot(h, w2_ref[...], preferred_element_type=jnp.float32)
    o_ref[...] = _ssp(h + b2_ref[...])


def _compute_filters(edges, W1, b1, W2, b2):
    E, DE = edges.shape
    D = W1.shape[1]
    BE = 2000
    grid = E // BE
    return pl.pallas_call(
        _filters_body,
        grid=(grid,),
        in_specs=[
            pl.BlockSpec((BE, DE), lambda i: (i, 0)),
            pl.BlockSpec((DE, D), lambda i: (0, 0)),
            pl.BlockSpec((1, D), lambda i: (0, 0)),
            pl.BlockSpec((D, D), lambda i: (0, 0)),
            pl.BlockSpec((1, D), lambda i: (0, 0)),
        ],
        out_specs=pl.BlockSpec((BE, D), lambda i: (i, 0)),
        out_shape=jax.ShapeDtypeStruct((E, D), jnp.float32),
    )(edges, W1, b1.reshape(1, D), W2, b2.reshape(1, D))


def _sc_conv(nodes, filters, starts2, ends2):
    N, D = nodes.shape
    nchunks, k = starts2.shape
    info = plsc.get_sparse_core_info()
    NC, NS = info.num_cores, info.num_subcores
    NW = NC * NS
    CH = nchunks // NW
    RPS = (N // NS) // 8 * 8
    REM = N - NS * RPS
    assert nchunks % NW == 0 and k == _K and REM % 8 == 0

    starts3 = starts2.reshape(NW, CH, k)
    ends3 = ends2.reshape(NW, CH, k)

    mesh = plsc.VectorSubcoreMesh(
        core_axis_name="c", subcore_axis_name="s",
        num_cores=NC, num_subcores=NS)

    @functools.partial(
        pl.kernel,
        out_type=jax.ShapeDtypeStruct((NC, N, D), jnp.float32),
        mesh=mesh,
        scratch_types=[
            pltpu.VMEM((CH, _K), jnp.int32),
            pltpu.VMEM((2, _K), jnp.int32),
            pltpu.VMEM((_K, D), jnp.float32),
            pltpu.VMEM((_K, D), jnp.float32),
            pltpu.VMEM_SHARED((N, D), jnp.float32),
            pltpu.SemaphoreType.DMA,
            pltpu.SemaphoreType.DMA,
            pltpu.SemaphoreType.DMA,
        ],
    )
    def conv(nodes_hbm, filt_hbm, starts_hbm, ends_hbm, part_hbm,
             sidx_v, eidx_v, rows_v, filtc_v, acc, sem_g, sem_f, sem_e):
        c = lax.axis_index("c")
        s = lax.axis_index("s")
        wid = s * NC + c
        r0 = s * RPS
        pltpu.sync_copy(nodes_hbm.at[pl.ds(r0, RPS)], acc.at[pl.ds(r0, RPS)])

        @pl.when(s == 0)
        def _init_rem():
            pltpu.sync_copy(nodes_hbm.at[pl.ds(NS * RPS, REM)],
                            acc.at[pl.ds(NS * RPS, REM)])
        cbase = wid * CH
        pltpu.sync_copy(starts_hbm.at[wid], sidx_v)
        pltpu.async_copy(ends_hbm.at[wid, 0], eidx_v.at[0], sem_e)
        plsc.subcore_barrier()

        def chunk(j, carry):
            slot = lax.rem(j, 2)
            off = (cbase + j) * _K
            cp_f = pltpu.async_copy(filt_hbm.at[pl.ds(off, _K)], filtc_v, sem_f)
            pltpu.make_async_copy(ends_hbm.at[wid, j], eidx_v.at[slot],
                                  sem_e).wait()

            @pl.when(j < CH - 1)
            def _prefetch_next():
                pltpu.async_copy(ends_hbm.at[wid, j + 1], eidx_v.at[1 - slot],
                                 sem_e)

            cp_g = pltpu.async_copy(nodes_hbm.at[eidx_v.at[slot]], rows_v,
                                    sem_g)
            cp_f.wait()
            cp_g.wait()

            def mul_row(r, carry2):
                for col in range(D // 16):
                    sl = (r, pl.ds(col * 16, 16))
                    rows_v[sl] = rows_v[sl] * filtc_v[sl]
                return carry2

            lax.fori_loop(0, _K, mul_row, 0)
            pltpu.sync_copy(rows_v, acc.at[sidx_v.at[j]], add=True)
            return carry

        lax.fori_loop(0, CH, chunk, 0)

        plsc.subcore_barrier()
        pltpu.sync_copy(acc.at[pl.ds(r0, RPS)], part_hbm.at[c, pl.ds(r0, RPS)])

        @pl.when(s == 0)
        def _out_rem():
            pltpu.sync_copy(acc.at[pl.ds(NS * RPS, REM)],
                            part_hbm.at[c, pl.ds(NS * RPS, REM)])

    return conv(nodes, filters, starts3, ends3)


def _combine_body(p_ref, n_ref, o_ref):
    o_ref[...] = p_ref[0] + p_ref[1] - n_ref[...]


def _combine(part, nodes):
    N, D = nodes.shape
    BN = 1000
    grid = N // BN
    return pl.pallas_call(
        _combine_body,
        grid=(grid,),
        in_specs=[
            pl.BlockSpec((2, BN, D), lambda i: (0, i, 0)),
            pl.BlockSpec((BN, D), lambda i: (i, 0)),
        ],
        out_specs=pl.BlockSpec((BN, D), lambda i: (i, 0)),
        out_shape=jax.ShapeDtypeStruct((N, D), jnp.float32),
    )(part, nodes)


def kernel(nodes, edges, edges_i, W1, b1, W2, b2):
    filters = _compute_filters(edges, W1, b1, W2, b2)
    starts2 = edges_i[:, 0].reshape(-1, _K)
    ends2 = edges_i[:, 1].reshape(-1, _K)
    part = _sc_conv(nodes, filters, starts2, ends2)
    return _combine(part, nodes)

# --- scband reference (transcript-rebuilt; emitter-appended) ---
"""Pipeline reference for scband-sch-net-cont-filter-convolution-88914412962557 (READ-ONLY COPY).

The authoritative reference and input builder live on the scoring server;
editing this copy changes nothing except your own understanding.
"""

import jax, jax.numpy as jnp
import numpy as np


def ssp(x):
    # shifted softplus activation used by SchNet ('ssp')
    return jax.nn.softplus(x) - jnp.log(2.0)


def setup_inputs(seed: int = 0) -> dict:
    key = jax.random.key(seed)
    k1, k2, k3, k4, k5, k6, k7 = jax.random.split(key, 7)
    N, E, D, DE = 10000, 320000, 128, 16
    nodes = jax.random.normal(k1, (N, D), dtype=jnp.float32)
    edges = jax.random.uniform(k2, (E, DE), dtype=jnp.float32)
    edges_i = jax.random.randint(k3, (E, 2), 0, N, dtype=jnp.int32)
    # filter generator 1: Dense(DE -> D)
    W1 = jax.random.normal(k4, (DE, D), dtype=jnp.float32) * (1.0 / np.sqrt(DE))
    b1 = jnp.zeros((D,), dtype=jnp.float32)
    # filter generator 2: Dense(D -> D)
    W2 = jax.random.normal(k5, (D, D), dtype=jnp.float32) * (1.0 / np.sqrt(D))
    b2 = jnp.zeros((D,), dtype=jnp.float32)
    return {"nodes": nodes, "edges": edges, "edges_i": edges_i, "W1": W1, "b1": b1, "W2": W2, "b2": b2}


def reference(nodes, edges, edges_i, W1, b1, W2, b2):
    nodes_starts = edges_i[:, 0]
    nodes_ends = edges_i[:, 1]
    nodes_filters = ssp(edges @ W1 + b1)
    nodes_filters = ssp(nodes_filters @ W2 + b2)
    nodes_conv = jnp.take(nodes, nodes_ends, axis=0)
    nodes_conv = nodes_conv * nodes_filters
    nodes_out = nodes.at[nodes_starts].add(nodes_conv)
    return nodes_out

if __name__ == "__main__":
    import jax
    _d = setup_inputs()
    print(jax.jit(kernel)(*tuple(_d.values())))

</pallas_src>

<mosaic_0001>
#map = affine_map<(d0, d1) -> (0, 0)>
#map1 = affine_map<(d0, d1) -> (0, 0, 0)>
module attributes {stable_mosaic.version = 14 : i64} {
  func.func @conv(%arg0: i32, %arg1: i32, %arg2: memref<10000x128xf32, #tpu.memory_space<hbm>>, %arg3: memref<320000x128xf32, #tpu.memory_space<hbm>>, %arg4: memref<32x125x80xi32, #tpu.memory_space<hbm>>, %arg5: memref<32x125x80xi32, #tpu.memory_space<hbm>>, %arg6: memref<2x10000x128xf32, #tpu.memory_space<hbm>>, %arg7: memref<125x80xi32, #tpu.memory_space<vmem>>, %arg8: memref<2x80xi32, #tpu.memory_space<vmem>>, %arg9: memref<80x128xf32, #tpu.memory_space<vmem>>, %arg10: memref<80x128xf32, #tpu.memory_space<vmem>>, %arg11: memref<10000x128xf32, #tpu.memory_space<vmem_shared>>, %arg12: memref<!tpu.dma_semaphore, #tpu.memory_space<semaphore_mem>>, %arg13: memref<!tpu.dma_semaphore, #tpu.memory_space<semaphore_mem>>, %arg14: memref<!tpu.dma_semaphore, #tpu.memory_space<semaphore_mem>>) attributes {dimension_semantics = [#tpu.dimension_semantics<core_parallel>, #tpu.dimension_semantics<subcore_parallel>], iteration_bounds = array<i64: 2, 16>, scalar_prefetch = 0 : i64, scratch_operands = 8 : i64, tpu.core_type = #tpu.core_type<sc_vector_subcore>, window_params = [{transform_indices = #map}, {transform_indices = #map}, {transform_indices = #map1}, {transform_indices = #map1}, {transform_indices = #map1}]} {
    %mul3A = arith.constant 2 : i32
    %mul3A_0 = arith.muli %arg1, %mul3A : i32
    %add3A = arith.addi %mul3A_0, %arg0 : i32
    %mul3A_1 = arith.constant 624 : i32
    %mul3A_2 = arith.muli %arg1, %mul3A_1 : i32
    "tpu.region"() ({
      %run_scoped3A = tpu.sem_alloc : memref<!tpu.dma_semaphore, #tpu.memory_space<semaphore_mem>>
      %dma_start3A_31 = arith.constant 0 : i32
      %dma_start3A_32 = tpu.memref_slice %arg11[%mul3A_2, %dma_start3A_31] : memref<10000x128xf32, #tpu.memory_space<vmem_shared>> -> memref<624x128xf32, #tpu.memory_space<vmem_shared>>
      %dma_start3A_33 = arith.constant 0 : i32
      %dma_start3A_34 = tpu.memref_slice %arg2[%mul3A_2, %dma_start3A_33] : memref<10000x128xf32, #tpu.memory_space<hbm>> -> memref<624x128xf32, #tpu.memory_space<hbm>>
      tpu.enqueue_dma source(%dma_start3A_34 : memref<624x128xf32, #tpu.memory_space<hbm>>) target(%dma_start3A_32 : memref<624x128xf32, #tpu.memory_space<vmem_shared>>) target_semaphore(%run_scoped3A : memref<!tpu.dma_semaphore, #tpu.memory_space<semaphore_mem>>)
      %dma_wait3A = arith.constant 0 : i32
      %dma_wait3A_35 = tpu.memref_slice %arg11[%mul3A_2, %dma_wait3A] : memref<10000x128xf32, #tpu.memory_space<vmem_shared>> -> memref<624x128xf32, #tpu.memory_space<vmem_shared>>
      %dma_wait3A_36 = arith.constant 0 : i32
      %dma_wait3A_37 = tpu.memref_slice %arg2[%mul3A_2, %dma_wait3A_36] : memref<10000x128xf32, #tpu.memory_space<hbm>> -> memref<624x128xf32, #tpu.memory_space<hbm>>
      tpu.wait_dma2 semaphore(%run_scoped3A : memref<!tpu.dma_semaphore, #tpu.memory_space<semaphore_mem>>) src(%dma_wait3A_37 : memref<624x128xf32, #tpu.memory_space<hbm>>) dst(%dma_wait3A_35 : memref<624x128xf32, #tpu.memory_space<vmem_shared>>)
      tpu.yield
    }) : () -> ()
    %eq3A = arith.constant 0 : i32
    %eq3A_3 = arith.cmpi eq, %arg1, %eq3A : i32
    %convert_element_type3A = arith.extui %eq3A_3 : i1 to i32
    %cond3A = arith.constant 0 : i32
    %cond3A_4 = arith.cmpi ne, %convert_element_type3A, %cond3A : i32
    scf.if %cond3A_4 {
      "tpu.region"() ({
        %run_scoped3A = tpu.sem_alloc : memref<!tpu.dma_semaphore, #tpu.memory_space<semaphore_mem>>
        %dma_start3A_31 = arith.constant 9984 : i32
        %dma_start3A_32 = arith.constant 0 : i32
        %dma_start3A_33 = tpu.memref_slice %arg11[%dma_start3A_31, %dma_start3A_32] : memref<10000x128xf32, #tpu.memory_space<vmem_shared>> -> memref<16x128xf32, #tpu.memory_space<vmem_shared>>
        %dma_start3A_34 = arith.constant 9984 : i32
        %dma_start3A_35 = arith.constant 0 : i32
        %dma_start3A_36 = tpu.memref_slice %arg2[%dma_start3A_34, %dma_start3A_35] : memref<10000x128xf32, #tpu.memory_space<hbm>> -> memref<16x128xf32, #tpu.memory_space<hbm>>
        tpu.enqueue_dma source(%dma_start3A_36 : memref<16x128xf32, #tpu.memory_space<hbm>>) target(%dma_start3A_33 : memref<16x128xf32, #tpu.memory_space<vmem_shared>>) target_semaphore(%run_scoped3A : memref<!tpu.dma_semaphore, #tpu.memory_space<semaphore_mem>>)
        %dma_wait3A = arith.constant 9984 : i32
        %dma_wait3A_37 = arith.constant 0 : i32
        %dma_wait3A_38 = tpu.memref_slice %arg11[%dma_wait3A, %dma_wait3A_37] : memref<10000x128xf32, #tpu.memory_space<vmem_shared>> -> memref<16x128xf32, #tpu.memory_space<vmem_shared>>
        %dma_wait3A_39 = arith.constant 9984 : i32
        %dma_wait3A_40 = arith.constant 0 : i32
        %dma_wait3A_41 = tpu.memref_slice %arg2[%dma_wait3A_39, %dma_wait3A_40] : memref<10000x128xf32, #tpu.memory_space<hbm>> -> memref<16x128xf32, #tpu.memory_space<hbm>>
        tpu.wait_dma2 semaphore(%run_scoped3A : memref<!tpu.dma_semaphore, #tpu.memory_space<semaphore_mem>>) src(%dma_wait3A_41 : memref<16x128xf32, #tpu.memory_space<hbm>>) dst(%dma_wait3A_38 : memref<16x128xf32, #tpu.memory_space<vmem_shared>>)
        tpu.yield
      }) : () -> ()
    } else {
    }
    %mul3A_5 = arith.constant 125 : i32
    %mul3A_6 = arith.muli %add3A, %mul3A_5 : i32
    "tpu.region"() ({
      %run_scoped3A = tpu.sem_alloc : memref<!tpu.dma_semaphore, #tpu.memory_space<semaphore_mem>>
      %dma_start3A_31 = arith.constant 0 : i32
      %dma_start3A_32 = arith.constant 0 : i32
      %dma_start3A_33 = tpu.memref_slice %arg4[%add3A, %dma_start3A_31, %dma_start3A_32] : memref<32x125x80xi32, #tpu.memory_space<hbm>> -> memref<1x125x80xi32, #tpu.memory_space<hbm>>
      %dma_start3A_34 = tpu.memref_squeeze %dma_start3A_33 : memref<1x125x80xi32, #tpu.memory_space<hbm>> -> memref<125x80xi32, #tpu.memory_space<hbm>>
      %dma_start3A_35 = arith.constant 0 : i32
      %dma_start3A_36 = arith.constant 0 : i32
      %dma_start3A_37 = tpu.memref_slice %arg4[%add3A, %dma_start3A_35, %dma_start3A_36] : memref<32x125x80xi32, #tpu.memory_space<hbm>> -> memref<1x125x80xi32, #tpu.memory_space<hbm>>
      %dma_start3A_38 = tpu.memref_squeeze %dma_start3A_37 : memref<1x125x80xi32, #tpu.memory_space<hbm>> -> memref<125x80xi32, #tpu.memory_space<hbm>>
      tpu.enqueue_dma source(%dma_start3A_38 : memref<125x80xi32, #tpu.memory_space<hbm>>) target(%arg7 : memref<125x80xi32, #tpu.memory_space<vmem>>) target_semaphore(%run_scoped3A : memref<!tpu.dma_semaphore, #tpu.memory_space<semaphore_mem>>)
      %dma_wait3A = arith.constant 0 : i32
      %dma_wait3A_39 = arith.constant 0 : i32
      %dma_wait3A_40 = tpu.memref_slice %arg4[%add3A, %dma_wait3A, %dma_wait3A_39] : memref<32x125x80xi32, #tpu.memory_space<hbm>> -> memref<1x125x80xi32, #tpu.memory_space<hbm>>
      %dma_wait3A_41 = tpu.memref_squeeze %dma_wait3A_40 : memref<1x125x80xi32, #tpu.memory_space<hbm>> -> memref<125x80xi32, #tpu.memory_space<hbm>>
      %dma_wait3A_42 = arith.constant 0 : i32
      %dma_wait3A_43 = arith.constant 0 : i32
      %dma_wait3A_44 = tpu.memref_slice %arg4[%add3A, %dma_wait3A_42, %dma_wait3A_43] : memref<32x125x80xi32, #tpu.memory_space<hbm>> -> memref<1x125x80xi32, #tpu.memory_space<hbm>>
      %dma_wait3A_45 = tpu.memref_squeeze %dma_wait3A_44 : memref<1x125x80xi32, #tpu.memory_space<hbm>> -> memref<125x80xi32, #tpu.memory_space<hbm>>
      tpu.wait_dma2 semaphore(%run_scoped3A : memref<!tpu.dma_semaphore, #tpu.memory_space<semaphore_mem>>) src(%dma_wait3A_45 : memref<125x80xi32, #tpu.memory_space<hbm>>) dst(%arg7 : memref<125x80xi32, #tpu.memory_space<vmem>>)
      tpu.yield
    }) : () -> ()
    %dma_start3A = arith.constant 0 : i32
    %dma_start3A_7 = arith.constant 0 : i32
    %dma_start3A_8 = arith.constant 0 : i32
    %dma_start3A_9 = tpu.memref_slice %arg8[%dma_start3A_7, %dma_start3A_8] : memref<2x80xi32, #tpu.memory_space<vmem>> -> memref<1x80xi32, #tpu.memory_space<vmem>>
    %dma_start3A_10 = tpu.memref_squeeze %dma_start3A_9 : memref<1x80xi32, #tpu.memory_space<vmem>> -> memref<80xi32, #tpu.memory_space<vmem>>
    %dma_start3A_11 = arith.constant 0 : i32
    %dma_start3A_12 = tpu.memref_slice %arg5[%add3A, %dma_start3A, %dma_start3A_11] : memref<32x125x80xi32, #tpu.memory_space<hbm>> -> memref<1x1x80xi32, #tpu.memory_space<hbm>>
    %dma_start3A_13 = tpu.memref_squeeze %dma_start3A_12 : memref<1x1x80xi32, #tpu.memory_space<hbm>> -> memref<80xi32, #tpu.memory_space<hbm>>
    %dma_start3A_14 = arith.constant 0 : i32
    %dma_start3A_15 = tpu.memref_slice %arg8[%dma_start3A_7, %dma_start3A_14] : memref<2x80xi32, #tpu.memory_space<vmem>> -> memref<1x80xi32, #tpu.memory_space<vmem>>
    %dma_start3A_16 = tpu.memref_squeeze %dma_start3A_15 : memref<1x80xi32, #tpu.memory_space<vmem>> -> memref<80xi32, #tpu.memory_space<vmem>>
    %dma_start3A_17 = arith.constant 0 : i32
    %dma_start3A_18 = tpu.memref_slice %arg5[%add3A, %dma_start3A, %dma_start3A_17] : memref<32x125x80xi32, #tpu.memory_space<hbm>> -> memref<1x1x80xi32, #tpu.memory_space<hbm>>
    %dma_start3A_19 = tpu.memref_squeeze %dma_start3A_18 : memref<1x1x80xi32, #tpu.memory_space<hbm>> -> memref<80xi32, #tpu.memory_space<hbm>>
    tpu.enqueue_dma source(%dma_start3A_19 : memref<80xi32, #tpu.memory_space<hbm>>) target(%dma_start3A_16 : memref<80xi32, #tpu.memory_space<vmem>>) target_semaphore(%arg14 : memref<!tpu.dma_semaphore, #tpu.memory_space<semaphore_mem>>)
    %barrier3A = arith.constant 0 : index
    tpu.barrier barrier_id(%barrier3A)
    %scan3A = arith.constant 0 : i32
    %scan3A_20 = arith.constant 0 : i32
    %scan3A_21 = arith.constant 125 : i32
    %scan3A_22 = arith.addi %scan3A_20, %scan3A_21 : i32
    %scan3A_23 = arith.constant 1 : i32
    scf.for %scan3A_31 = %scan3A_20 to %scan3A_22 step %scan3A_23  : i32 {
      %rem3A = arith.constant 2 : i32
      %rem3A_32 = arith.remsi %scan3A_31, %rem3A : i32
      %add3A_33 = arith.addi %mul3A_6, %scan3A_31 : i32
      %mul3A_34 = arith.constant 80 : i32
      %mul3A_35 = arith.muli %add3A_33, %mul3A_34 : i32
      %dma_start3A_36 = arith.constant 0 : i32
      %dma_start3A_37 = tpu.memref_slice %arg3[%mul3A_35, %dma_start3A_36] : memref<320000x128xf32, #tpu.memory_space<hbm>> -> memref<80x128xf32, #tpu.memory_space<hbm>>
      %dma_start3A_38 = arith.constant 0 : i32
      %dma_start3A_39 = tpu.memref_slice %arg3[%mul3A_35, %dma_start3A_38] : memref<320000x128xf32, #tpu.memory_space<hbm>> -> memref<80x128xf32, #tpu.memory_space<hbm>>
      tpu.enqueue_dma source(%dma_start3A_39 : memref<80x128xf32, #tpu.memory_space<hbm>>) target(%arg10 : memref<80x128xf32, #tpu.memory_space<vmem>>) target_semaphore(%arg13 : memref<!tpu.dma_semaphore, #tpu.memory_space<semaphore_mem>>)
      %dma_wait3A = arith.constant 0 : i32
      %dma_wait3A_40 = tpu.memref_slice %arg8[%rem3A_32, %dma_wait3A] : memref<2x80xi32, #tpu.memory_space<vmem>> -> memref<1x80xi32, #tpu.memory_space<vmem>>
      %dma_wait3A_41 = tpu.memref_squeeze %dma_wait3A_40 : memref<1x80xi32, #tpu.memory_space<vmem>> -> memref<80xi32, #tpu.memory_space<vmem>>
      %dma_wait3A_42 = arith.constant 0 : i32
      %dma_wait3A_43 = tpu.memref_slice %arg5[%add3A, %scan3A_31, %dma_wait3A_42] : memref<32x125x80xi32, #tpu.memory_space<hbm>> -> memref<1x1x80xi32, #tpu.memory_space<hbm>>
      %dma_wait3A_44 = tpu.memref_squeeze %dma_wait3A_43 : memref<1x1x80xi32, #tpu.memory_space<hbm>> -> memref<80xi32, #tpu.memory_space<hbm>>
      %dma_wait3A_45 = arith.constant 0 : i32
      %dma_wait3A_46 = tpu.memref_slice %arg8[%rem3A_32, %dma_wait3A_45] : memref<2x80xi32, #tpu.memory_space<vmem>> -> memref<1x80xi32, #tpu.memory_space<vmem>>
      %dma_wait3A_47 = tpu.memref_squeeze %dma_wait3A_46 : memref<1x80xi32, #tpu.memory_space<vmem>> -> memref<80xi32, #tpu.memory_space<vmem>>
      %dma_wait3A_48 = arith.constant 0 : i32
      %dma_wait3A_49 = tpu.memref_slice %arg5[%add3A, %scan3A_31, %dma_wait3A_48] : memref<32x125x80xi32, #tpu.memory_space<hbm>> -> memref<1x1x80xi32, #tpu.memory_space<hbm>>
      %dma_wait3A_50 = tpu.memref_squeeze %dma_wait3A_49 : memref<1x1x80xi32, #tpu.memory_space<hbm>> -> memref<80xi32, #tpu.memory_space<hbm>>
      tpu.wait_dma2 semaphore(%arg14 : memref<!tpu.dma_semaphore, #tpu.memory_space<semaphore_mem>>) src(%dma_wait3A_50 : memref<80xi32, #tpu.memory_space<hbm>>) dst(%dma_wait3A_47 : memref<80xi32, #tpu.memory_space<vmem>>)
      %lt3A = arith.constant 124 : i32
      %lt3A_51 = arith.cmpi slt, %scan3A_31, %lt3A : i32
      %convert_element_type3A_52 = arith.extui %lt3A_51 : i1 to i32
      %cond3A_53 = arith.constant 0 : i32
      %cond3A_54 = arith.cmpi ne, %convert_element_type3A_52, %cond3A_53 : i32
      scf.if %cond3A_54 {
        %add3A_77 = arith.constant 1 : i32
        %add3A_78 = arith.addi %scan3A_31, %add3A_77 : i32
        %sub3A = arith.constant 1 : i32
        %sub3A_79 = arith.subi %sub3A, %rem3A_32 : i32
        %dma_start3A_80 = arith.constant 0 : i32
        %dma_start3A_81 = tpu.memref_slice %arg8[%sub3A_79, %dma_start3A_80] : memref<2x80xi32, #tpu.memory_space<vmem>> -> memref<1x80xi32, #tpu.memory_space<vmem>>
        %dma_start3A_82 = tpu.memref_squeeze %dma_start3A_81 : memref<1x80xi32, #tpu.memory_space<vmem>> -> memref<80xi32, #tpu.memory_space<vmem>>
        %dma_start3A_83 = arith.constant 0 : i32
        %dma_start3A_84 = tpu.memref_slice %arg5[%add3A, %add3A_78, %dma_start3A_83] : memref<32x125x80xi32, #tpu.memory_space<hbm>> -> memref<1x1x80xi32, #tpu.memory_space<hbm>>
        %dma_start3A_85 = tpu.memref_squeeze %dma_start3A_84 : memref<1x1x80xi32, #tpu.memory_space<hbm>> -> memref<80xi32, #tpu.memory_space<hbm>>
        %dma_start3A_86 = arith.constant 0 : i32
        %dma_start3A_87 = tpu.memref_slice %arg8[%sub3A_79, %dma_start3A_86] : memref<2x80xi32, #tpu.memory_space<vmem>> -> memref<1x80xi32, #tpu.memory_space<vmem>>
        %dma_start3A_88 = tpu.memref_squeeze %dma_start3A_87 : memref<1x80xi32, #tpu.memory_space<vmem>> -> memref<80xi32, #tpu.memory_space<vmem>>
        %dma_start3A_89 = arith.constant 0 : i32
        %dma_start3A_90 = tpu.memref_slice %arg5[%add3A, %add3A_78, %dma_start3A_89] : memref<32x125x80xi32, #tpu.memory_space<hbm>> -> memref<1x1x80xi32, #tpu.memory_space<hbm>>
        %dma_start3A_91 = tpu.memref_squeeze %dma_start3A_90 : memref<1x1x80xi32, #tpu.memory_space<hbm>> -> memref<80xi32, #tpu.memory_space<hbm>>
        tpu.enqueue_dma source(%dma_start3A_91 : memref<80xi32, #tpu.memory_space<hbm>>) target(%dma_start3A_88 : memref<80xi32, #tpu.memory_space<vmem>>) target_semaphore(%arg14 : memref<!tpu.dma_semaphore, #tpu.memory_space<semaphore_mem>>)
      } else {
      }
      %dma_start3A_55 = arith.constant 0 : i32
      %dma_start3A_56 = tpu.memref_slice %arg8[%rem3A_32, %dma_start3A_55] : memref<2x80xi32, #tpu.memory_space<vmem>> -> memref<1x80xi32, #tpu.memory_space<vmem>>
      %dma_start3A_57 = tpu.memref_squeeze %dma_start3A_56 : memref<1x80xi32, #tpu.memory_space<vmem>> -> memref<80xi32, #tpu.memory_space<vmem>>
      %dma_start3A_58 = arith.constant 0 : i32
      %dma_start3A_59 = arith.constant 0 : i32
      %dma_start3A_60 = tpu.memref_slice %arg2[%dma_start3A_58, %dma_start3A_59] : memref<10000x128xf32, #tpu.memory_space<hbm>> -> memref<10000x128xf32, #tpu.memory_space<hbm>>
      tpu.enqueue_indirect_dma source(%dma_start3A_60 : memref<10000x128xf32, #tpu.memory_space<hbm>>) target(%arg9 : memref<80x128xf32, #tpu.memory_space<vmem>>) offsets(%dma_start3A_57 : memref<80xi32, #tpu.memory_space<vmem>>) semaphore(%arg12 : memref<!tpu.dma_semaphore, #tpu.memory_space<semaphore_mem>>)
      %dma_wait3A_61 = arith.constant 0 : i32
      %dma_wait3A_62 = tpu.memref_slice %arg3[%mul3A_35, %dma_wait3A_61] : memref<320000x128xf32, #tpu.memory_space<hbm>> -> memref<80x128xf32, #tpu.memory_space<hbm>>
      %dma_wait3A_63 = arith.constant 0 : i32
      %dma_wait3A_64 = tpu.memref_slice %arg3[%mul3A_35, %dma_wait3A_63] : memref<320000x128xf32, #tpu.memory_space<hbm>> -> memref<80x128xf32, #tpu.memory_space<hbm>>
      tpu.wait_dma2 semaphore(%arg13 : memref<!tpu.dma_semaphore, #tpu.memory_space<semaphore_mem>>) src(%dma_wait3A_64 : memref<80x128xf32, #tpu.memory_space<hbm>>) dst(%arg10 : memref<80x128xf32, #tpu.memory_space<vmem>>)
      %dma_wait3A_65 = arith.constant 0 : i32
      %dma_wait3A_66 = tpu.memref_slice %arg8[%rem3A_32, %dma_wait3A_65] : memref<2x80xi32, #tpu.memory_space<vmem>> -> memref<1x80xi32, #tpu.memory_space<vmem>>
      %dma_wait3A_67 = tpu.memref_squeeze %dma_wait3A_66 : memref<1x80xi32, #tpu.memory_space<vmem>> -> memref<80xi32, #tpu.memory_space<vmem>>
      %dma_wait3A_68 = arith.constant 0 : i32
      %dma_wait3A_69 = arith.constant 0 : i32
      %dma_wait3A_70 = tpu.memref_slice %arg2[%dma_wait3A_68, %dma_wait3A_69] : memref<10000x128xf32, #tpu.memory_space<hbm>> -> memref<10000x128xf32, #tpu.memory_space<hbm>>
      tpu.wait_indirect_dma semaphore(%arg12 : memref<!tpu.dma_semaphore, #tpu.memory_space<semaphore_mem>>) src(%dma_wait3A_70 : memref<10000x128xf32, #tpu.memory_space<hbm>>) dst(%arg9 : memref<80x128xf32, #tpu.memory_space<vmem>>)
      %scan3A_71 = arith.constant 0 : i32
      %scan3A_72 = arith.constant 0 : i32
      %scan3A_73 = arith.constant 80 : i32
      %scan3A_74 = arith.addi %scan3A_72, %scan3A_73 : i32
      %scan3A_75 = arith.constant 1 : i32
      scf.for %scan3A_77 = %scan3A_72 to %scan3A_74 step %scan3A_75  : i32 {
        %get3A = arith.index_cast %scan3A_77 : i32 to index
        %get3A_78 = arith.constant 0 : index
        %get3A_79 = tpu.vector_load %arg9[%get3A, %get3A_78] {strides = array<i32>} : memref<80x128xf32, #tpu.memory_space<vmem>>, vector<1x16xf32>,
        %get3A_80 = vector.shape_cast %get3A_79 : vector<1x16xf32> to vector<16xf32>
        %get3A_81 = arith.index_cast %scan3A_77 : i32 to index
        %get3A_82 = arith.constant 0 : index
        %get3A_83 = tpu.vector_load %arg10[%get3A_81, %get3A_82] {strides = array<i32>} : memref<80x128xf32, #tpu.memory_space<vmem>>, vector<1x16xf32>,
        %get3A_84 = vector.shape_cast %get3A_83 : vector<1x16xf32> to vector<16xf32>
        %mul3A_85 = arith.mulf %get3A_80, %get3A_84 : vector<16xf32>
        %swap3A = arith.index_cast %scan3A_77 : i32 to index
        %swap3A_86 = arith.constant 0 : index
        %swap3A_87 = tpu.vector_load %arg9[%swap3A, %swap3A_86] {strides = array<i32>} : memref<80x128xf32, #tpu.memory_space<vmem>>, vector<1x16xf32>,
        %swap3A_88 = vector.shape_cast %swap3A_87 : vector<1x16xf32> to vector<16xf32>
        %swap3A_89 = vector.shape_cast %mul3A_85 : vector<16xf32> to vector<1x16xf32>
        tpu.vector_store %arg9[%swap3A, %swap3A_86], %swap3A_89 {strides = array<i32>} : memref<80x128xf32, #tpu.memory_space<vmem>>, vector<1x16xf32>,
        %get3A_90 = arith.index_cast %scan3A_77 : i32 to index
        %get3A_91 = arith.constant 16 : index
        %get3A_92 = tpu.vector_load %arg9[%get3A_90, %get3A_91] {strides = array<i32>} : memref<80x128xf32, #tpu.memory_space<vmem>>, vector<1x16xf32>,
        %get3A_93 = vector.shape_cast %get3A_92 : vector<1x16xf32> to vector<16xf32>
        %get3A_94 = arith.index_cast %scan3A_77 : i32 to index
        %get3A_95 = arith.constant 16 : index
        %get3A_96 = tpu.vector_load %arg10[%get3A_94, %get3A_95] {strides = array<i32>} : memref<80x128xf32, #tpu.memory_space<vmem>>, vector<1x16xf32>,
        %get3A_97 = vector.shape_cast %get3A_96 : vector<1x16xf32> to vector<16xf32>
        %mul3A_98 = arith.mulf %get3A_93, %get3A_97 : vector<16xf32>
        %swap3A_99 = arith.index_cast %scan3A_77 : i32 to index
        %swap3A_100 = arith.constant 16 : index
        %swap3A_101 = tpu.vector_load %arg9[%swap3A_99, %swap3A_100] {strides = array<i32>} : memref<80x128xf32, #tpu.memory_space<vmem>>, vector<1x16xf32>,
        %swap3A_102 = vector.shape_cast %swap3A_101 : vector<1x16xf32> to vector<16xf32>
        %swap3A_103 = vector.shape_cast %mul3A_98 : vector<16xf32> to vector<1x16xf32>
        tpu.vector_store %arg9[%swap3A_99, %swap3A_100], %swap3A_103 {strides = array<i32>} : memref<80x128xf32, #tpu.memory_space<vmem>>, vector<1x16xf32>,
        %get3A_104 = arith.index_cast %scan3A_77 : i32 to index
        %get3A_105 = arith.constant 32 : index
        %get3A_106 = tpu.vector_load %arg9[%get3A_104, %get3A_105] {strides = array<i32>} : memref<80x128xf32, #tpu.memory_space<vmem>>, vector<1x16xf32>,
        %get3A_107 = vector.shape_cast %get3A_106 : vector<1x16xf32> to vector<16xf32>
        %get3A_108 = arith.index_cast %scan3A_77 : i32 to index
        %get3A_109 = arith.constant 32 : index
        %get3A_110 = tpu.vector_load %arg10[%get3A_108, %get3A_109] {strides = array<i32>} : memref<80x128xf32, #tpu.memory_space<vmem>>, vector<1x16xf32>,
        %get3A_111 = vector.shape_cast %get3A_110 : vector<1x16xf32> to vector<16xf32>
        %mul3A_112 = arith.mulf %get3A_107, %get3A_111 : vector<16xf32>
        %swap3A_113 = arith.index_cast %scan3A_77 : i32 to index
        %swap3A_114 = arith.constant 32 : index
        %swap3A_115 = tpu.vector_load %arg9[%swap3A_113, %swap3A_114] {strides = array<i32>} : memref<80x128xf32, #tpu.memory_space<vmem>>, vector<1x16xf32>,
        %swap3A_116 = vector.shape_cast %swap3A_115 : vector<1x16xf32> to vector<16xf32>
        %swap3A_117 = vector.shape_cast %mul3A_112 : vector<16xf32> to vector<1x16xf32>
        tpu.vector_store %arg9[%swap3A_113, %swap3A_114], %swap3A_117 {strides = array<i32>} : memref<80x128xf32, #tpu.memory_space<vmem>>, vector<1x16xf32>,
        %get3A_118 = arith.index_cast %scan3A_77 : i32 to index
        %get3A_119 = arith.constant 48 : index
        %get3A_120 = tpu.vector_load %arg9[%get3A_118, %get3A_119] {strides = array<i32>} : memref<80x128xf32, #tpu.memory_space<vmem>>, vector<1x16xf32>,
        %get3A_121 = vector.shape_cast %get3A_120 : vector<1x16xf32> to vector<16xf32>
        %get3A_122 = arith.index_cast %scan3A_77 : i32 to index
        %get3A_123 = arith.constant 48 : index
        %get3A_124 = tpu.vector_load %arg10[%get3A_122, %get3A_123] {strides = array<i32>} : memref<80x128xf32, #tpu.memory_space<vmem>>, vector<1x16xf32>,
        %get3A_125 = vector.shape_cast %get3A_124 : vector<1x16xf32> to vector<16xf32>
        %mul3A_126 = arith.mulf %get3A_121, %get3A_125 : vector<16xf32>
        %swap3A_127 = arith.index_cast %scan3A_77 : i32 to index
        %swap3A_128 = arith.constant 48 : index
        %swap3A_129 = tpu.vector_load %arg9[%swap3A_127, %swap3A_128] {strides = array<i32>} : memref<80x128xf32, #tpu.memory_space<vmem>>, vector<1x16xf32>,
        %swap3A_130 = vector.shape_cast %swap3A_129 : vector<1x16xf32> to vector<16xf32>
        %swap3A_131 = vector.shape_cast %mul3A_126 : vector<16xf32> to vector<1x16xf32>
        tpu.vector_store %arg9[%swap3A_127, %swap3A_128], %swap3A_131 {strides = array<i32>} : memref<80x128xf32, #tpu.memory_space<vmem>>, vector<1x16xf32>,
        %get3A_132 = arith.index_cast %scan3A_77 : i32 to index
        %get3A_133 = arith.constant 64 : index
        %get3A_134 = tpu.vector_load %arg9[%get3A_132, %get3A_133] {strides = array<i32>} : memref<80x128xf32, #tpu.memory_space<vmem>>, vector<1x16xf32>,
        %get3A_135 = vector.shape_cast %get3A_134 : vector<1x16xf32> to vector<16xf32>
        %get3A_136 = arith.index_cast %scan3A_77 : i32 to index
        %get3A_137 = arith.constant 64 : index
        %get3A_138 = tpu.vector_load %arg10[%get3A_136, %get3A_137] {strides = array<i32>} : memref<80x128xf32, #tpu.memory_space<vmem>>, vector<1x16xf32>,
        %get3A_139 = vector.shape_cast %get3A_138 : vector<1x16xf32> to vector<16xf32>
        %mul3A_140 = arith.mulf %get3A_135, %get3A_139 : vector<16xf32>
        %swap3A_141 = arith.index_cast %scan3A_77 : i32 to index
        %swap3A_142 = arith.constant 64 : index
        %swap3A_143 = tpu.vector_load %arg9[%swap3A_141, %swap3A_142] {strides = array<i32>} : memref<80x128xf32, #tpu.memory_space<vmem>>, vector<1x16xf32>,
        %swap3A_144 = vector.shape_cast %swap3A_143 : vector<1x16xf32> to vector<16xf32>
        %swap3A_145 = vector.shape_cast %mul3A_140 : vector<16xf32> to vector<1x16xf32>
        tpu.vector_store %arg9[%swap3A_141, %swap3A_142], %swap3A_145 {strides = array<i32>} : memref<80x128xf32, #tpu.memory_space<vmem>>, vector<1x16xf32>,
        %get3A_146 = arith.index_cast %scan3A_77 : i32 to index
        %get3A_147 = arith.constant 80 : index
        %get3A_148 = tpu.vector_load %arg9[%get3A_146, %get3A_147] {strides = array<i32>} : memref<80x128xf32, #tpu.memory_space<vmem>>, vector<1x16xf32>,
        %get3A_149 = vector.shape_cast %get3A_148 : vector<1x16xf32> to vector<16xf32>
        %get3A_150 = arith.index_cast %scan3A_77 : i32 to index
        %get3A_151 = arith.constant 80 : index
        %get3A_152 = tpu.vector_load %arg10[%get3A_150, %get3A_151] {strides = array<i32>} : memref<80x128xf32, #tpu.memory_space<vmem>>, vector<1x16xf32>,
        %get3A_153 = vector.shape_cast %get3A_152 : vector<1x16xf32> to vector<16xf32>
        %mul3A_154 = arith.mulf %get3A_149, %get3A_153 : vector<16xf32>
        %swap3A_155 = arith.index_cast %scan3A_77 : i32 to index
        %swap3A_156 = arith.constant 80 : index
        %swap3A_157 = tpu.vector_load %arg9[%swap3A_155, %swap3A_156] {strides = array<i32>} : memref<80x128xf32, #tpu.memory_space<vmem>>, vector<1x16xf32>,
        %swap3A_158 = vector.shape_cast %swap3A_157 : vector<1x16xf32> to vector<16xf32>
        %swap3A_159 = vector.shape_cast %mul3A_154 : vector<16xf32> to vector<1x16xf32>
        tpu.vector_store %arg9[%swap3A_155, %swap3A_156], %swap3A_159 {strides = array<i32>} : memref<80x128xf32, #tpu.memory_space<vmem>>, vector<1x16xf32>,
        %get3A_160 = arith.index_cast %scan3A_77 : i32 to index
        %get3A_161 = arith.constant 96 : index
        %get3A_162 = tpu.vector_load %arg9[%get3A_160, %get3A_161] {strides = array<i32>} : memref<80x128xf32, #tpu.memory_space<vmem>>, vector<1x16xf32>,
        %get3A_163 = vector.shape_cast %get3A_162 : vector<1x16xf32> to vector<16xf32>
        %get3A_164 = arith.index_cast %scan3A_77 : i32 to index
        %get3A_165 = arith.constant 96 : index
        %get3A_166 = tpu.vector_load %arg10[%get3A_164, %get3A_165] {strides = array<i32>} : memref<80x128xf32, #tpu.memory_space<vmem>>, vector<1x16xf32>,
        %get3A_167 = vector.shape_cast %get3A_166 : vector<1x16xf32> to vector<16xf32>
        %mul3A_168 = arith.mulf %get3A_163, %get3A_167 : vector<16xf32>
        %swap3A_169 = arith.index_cast %scan3A_77 : i32 to index
        %swap3A_170 = arith.constant 96 : index
        %swap3A_171 = tpu.vector_load %arg9[%swap3A_169, %swap3A_170] {strides = array<i32>} : memref<80x128xf32, #tpu.memory_space<vmem>>, vector<1x16xf32>,
        %swap3A_172 = vector.shape_cast %swap3A_171 : vector<1x16xf32> to vector<16xf32>
        %swap3A_173 = vector.shape_cast %mul3A_168 : vector<16xf32> to vector<1x16xf32>
        tpu.vector_store %arg9[%swap3A_169, %swap3A_170], %swap3A_173 {strides = array<i32>} : memref<80x128xf32, #tpu.memory_space<vmem>>, vector<1x16xf32>,
        %get3A_174 = arith.index_cast %scan3A_77 : i32 to index
        %get3A_175 = arith.constant 112 : index
        %get3A_176 = tpu.vector_load %arg9[%get3A_174, %get3A_175] {strides = array<i32>} : memref<80x128xf32, #tpu.memory_space<vmem>>, vector<1x16xf32>,
        %get3A_177 = vector.shape_cast %get3A_176 : vector<1x16xf32> to vector<16xf32>
        %get3A_178 = arith.index_cast %scan3A_77 : i32 to index
        %get3A_179 = arith.constant 112 : index
        %get3A_180 = tpu.vector_load %arg10[%get3A_178, %get3A_179] {strides = array<i32>} : memref<80x128xf32, #tpu.memory_space<vmem>>, vector<1x16xf32>,
        %get3A_181 = vector.shape_cast %get3A_180 : vector<1x16xf32> to vector<16xf32>
        %mul3A_182 = arith.mulf %get3A_177, %get3A_181 : vector<16xf32>
        %swap3A_183 = arith.index_cast %scan3A_77 : i32 to index
        %swap3A_184 = arith.constant 112 : index
        %swap3A_185 = tpu.vector_load %arg9[%swap3A_183, %swap3A_184] {strides = array<i32>} : memref<80x128xf32, #tpu.memory_space<vmem>>, vector<1x16xf32>,
        %swap3A_186 = vector.shape_cast %swap3A_185 : vector<1x16xf32> to vector<16xf32>
        %swap3A_187 = vector.shape_cast %mul3A_182 : vector<16xf32> to vector<1x16xf32>
        tpu.vector_store %arg9[%swap3A_183, %swap3A_184], %swap3A_187 {strides = array<i32>} : memref<80x128xf32, #tpu.memory_space<vmem>>, vector<1x16xf32>,
      }
      %scan3A_76 = arith.constant 80 : i32
      "tpu.region"() ({
        %run_scoped3A = tpu.sem_alloc : memref<!tpu.dma_semaphore, #tpu.memory_space<semaphore_mem>>
        %dma_start3A_77 = arith.constant 0 : i32
        %dma_start3A_78 = tpu.memref_slice %arg7[%scan3A_31, %dma_start3A_77] : memref<125x80xi32, #tpu.memory_space<vmem>> -> memref<1x80xi32, #tpu.memory_space<vmem>>
        %dma_start3A_79 = tpu.memref_squeeze %dma_start3A_78 : memref<1x80xi32, #tpu.memory_space<vmem>> -> memref<80xi32, #tpu.memory_space<vmem>>
        %dma_start3A_80 = arith.constant 0 : i32
        %dma_start3A_81 = arith.constant 0 : i32
        %dma_start3A_82 = tpu.memref_slice %arg11[%dma_start3A_80, %dma_start3A_81] : memref<10000x128xf32, #tpu.memory_space<vmem_shared>> -> memref<10000x128xf32, #tpu.memory_space<vmem_shared>>
        tpu.enqueue_indirect_dma source(%arg9 : memref<80x128xf32, #tpu.memory_space<vmem>>) target(%dma_start3A_82 : memref<10000x128xf32, #tpu.memory_space<vmem_shared>>) offsets(%dma_start3A_79 : memref<80xi32, #tpu.memory_space<vmem>>) semaphore(%run_scoped3A : memref<!tpu.dma_semaphore, #tpu.memory_space<semaphore_mem>>) {add = true}
        %dma_wait3A_83 = arith.constant 0 : i32
        %dma_wait3A_84 = tpu.memref_slice %arg7[%scan3A_31, %dma_wait3A_83] : memref<125x80xi32, #tpu.memory_space<vmem>> -> memref<1x80xi32, #tpu.memory_space<vmem>>
        %dma_wait3A_85 = tpu.memref_squeeze %dma_wait3A_84 : memref<1x80xi32, #tpu.memory_space<vmem>> -> memref<80xi32, #tpu.memory_space<vmem>>
        %dma_wait3A_86 = arith.constant 0 : i32
        %dma_wait3A_87 = arith.constant 0 : i32
        %dma_wait3A_88 = tpu.memref_slice %arg11[%dma_wait3A_86, %dma_wait3A_87] : memref<10000x128xf32, #tpu.memory_space<vmem_shared>> -> memref<10000x128xf32, #tpu.memory_space<vmem_shared>>
        tpu.wait_indirect_dma semaphore(%run_scoped3A : memref<!tpu.dma_semaphore, #tpu.memory_space<semaphore_mem>>) src(%arg9 : memref<80x128xf32, #tpu.memory_space<vmem>>) dst(%dma_wait3A_88 : memref<10000x128xf32, #tpu.memory_space<vmem_shared>>)
        tpu.yield
      }) : () -> ()
    }
    %scan3A_24 = arith.constant 125 : i32
    %barrier3A_25 = arith.constant 0 : index
    tpu.barrier barrier_id(%barrier3A_25)
    "tpu.region"() ({
      %run_scoped3A = tpu.sem_alloc : memref<!tpu.dma_semaphore, #tpu.memory_space<semaphore_mem>>
      %dma_start3A_31 = arith.constant 0 : i32
      %dma_start3A_32 = tpu.memref_slice %arg6[%arg0, %mul3A_2, %dma_start3A_31] : memref<2x10000x128xf32, #tpu.memory_space<hbm>> -> memref<1x624x128xf32, #tpu.memory_space<hbm>>
      %dma_start3A_33 = tpu.memref_squeeze %dma_start3A_32 : memref<1x624x128xf32, #tpu.memory_space<hbm>> -> memref<624x128xf32, #tpu.memory_space<hbm>>
      %dma_start3A_34 = arith.constant 0 : i32
      %dma_start3A_35 = tpu.memref_slice %arg11[%mul3A_2, %dma_start3A_34] : memref<10000x128xf32, #tpu.memory_space<vmem_shared>> -> memref<624x128xf32, #tpu.memory_space<vmem_shared>>
      tpu.enqueue_dma source(%dma_start3A_35 : memref<624x128xf32, #tpu.memory_space<vmem_shared>>) target(%dma_start3A_33 : memref<624x128xf32, #tpu.memory_space<hbm>>) target_semaphore(%run_scoped3A : memref<!tpu.dma_semaphore, #tpu.memory_space<semaphore_mem>>)
      %dma_wait3A = arith.constant 0 : i32
      %dma_wait3A_36 = tpu.memref_slice %arg6[%arg0, %mul3A_2, %dma_wait3A] : memref<2x10000x128xf32, #tpu.memory_space<hbm>> -> memref<1x624x128xf32, #tpu.memory_space<hbm>>
      %dma_wait3A_37 = tpu.memref_squeeze %dma_wait3A_36 : memref<1x624x128xf32, #tpu.memory_space<hbm>> -> memref<624x128xf32, #tpu.memory_space<hbm>>
      %dma_wait3A_38 = arith.constant 0 : i32
      %dma_wait3A_39 = tpu.memref_slice %arg11[%mul3A_2, %dma_wait3A_38] : memref<10000x128xf32, #tpu.memory_space<vmem_shared>> -> memref<624x128xf32, #tpu.memory_space<vmem_shared>>
      tpu.wait_dma2 semaphore(%run_scoped3A : memref<!tpu.dma_semaphore, #tpu.memory_space<semaphore_mem>>) src(%dma_wait3A_39 : memref<624x128xf32, #tpu.memory_space<vmem_shared>>) dst(%dma_wait3A_37 : memref<624x128xf32, #tpu.memory_space<hbm>>)
      tpu.yield
    }) : () -> ()
    %eq3A_26 = arith.constant 0 : i32
    %eq3A_27 = arith.cmpi eq, %arg1, %eq3A_26 : i32
    %convert_element_type3A_28 = arith.extui %eq3A_27 : i1 to i32
    %cond3A_29 = arith.constant 0 : i32
    %cond3A_30 = arith.cmpi ne, %convert_element_type3A_28, %cond3A_29 : i32
    scf.if %cond3A_30 {
      "tpu.region"() ({
        %run_scoped3A = tpu.sem_alloc : memref<!tpu.dma_semaphore, #tpu.memory_space<semaphore_mem>>
        %dma_start3A_31 = arith.constant 9984 : i32
        %dma_start3A_32 = arith.constant 0 : i32
        %dma_start3A_33 = tpu.memref_slice %arg6[%arg0, %dma_start3A_31, %dma_start3A_32] : memref<2x10000x128xf32, #tpu.memory_space<hbm>> -> memref<1x16x128xf32, #tpu.memory_space<hbm>>
        %dma_start3A_34 = tpu.memref_squeeze %dma_start3A_33 : memref<1x16x128xf32, #tpu.memory_space<hbm>> -> memref<16x128xf32, #tpu.memory_space<hbm>>
        %dma_start3A_35 = arith.constant 9984 : i32
        %dma_start3A_36 = arith.constant 0 : i32
        %dma_start3A_37 = tpu.memref_slice %arg11[%dma_start3A_35, %dma_start3A_36] : memref<10000x128xf32, #tpu.memory_space<vmem_shared>> -> memref<16x128xf32, #tpu.memory_space<vmem_shared>>
        tpu.enqueue_dma source(%dma_start3A_37 : memref<16x128xf32, #tpu.memory_space<vmem_shared>>) target(%dma_start3A_34 : memref<16x128xf32, #tpu.memory_space<hbm>>) target_semaphore(%run_scoped3A : memref<!tpu.dma_semaphore, #tpu.memory_space<semaphore_mem>>)
        %dma_wait3A = arith.constant 9984 : i32
        %dma_wait3A_38 = arith.constant 0 : i32
        %dma_wait3A_39 = tpu.memref_slice %arg6[%arg0, %dma_wait3A, %dma_wait3A_38] : memref<2x10000x128xf32, #tpu.memory_space<hbm>> -> memref<1x16x128xf32, #tpu.memory_space<hbm>>
        %dma_wait3A_40 = tpu.memref_squeeze %dma_wait3A_39 : memref<1x16x128xf32, #tpu.memory_space<hbm>> -> memref<16x128xf32, #tpu.memory_space<hbm>>
        %dma_wait3A_41 = arith.constant 9984 : i32
        %dma_wait3A_42 = arith.constant 0 : i32
        %dma_wait3A_43 = tpu.memref_slice %arg11[%dma_wait3A_41, %dma_wait3A_42] : memref<10000x128xf32, #tpu.memory_space<vmem_shared>> -> memref<16x128xf32, #tpu.memory_space<vmem_shared>>
        tpu.wait_dma2 semaphore(%run_scoped3A : memref<!tpu.dma_semaphore, #tpu.memory_space<semaphore_mem>>) src(%dma_wait3A_43 : memref<16x128xf32, #tpu.memory_space<vmem_shared>>) dst(%dma_wait3A_40 : memref<16x128xf32, #tpu.memory_space<hbm>>)
        tpu.yield
      }) : () -> ()
    } else {
    }
    return
  }
}

module attributes {stable_mosaic.version = 14 : i64} {
  func.func @_filters_body(%arg0: i32, %arg1: memref<2000x16xf32, #tpu.memory_space<vmem>>, %arg2: memref<16x128xf32, #tpu.memory_space<vmem>>, %arg3: memref<1x128xf32, #tpu.memory_space<vmem>>, %arg4: memref<128x128xf32, #tpu.memory_space<vmem>>, %arg5: memref<1x128xf32, #tpu.memory_space<vmem>>, %arg6: memref<2000x128xf32, #tpu.memory_space<vmem>>) attributes {dimension_semantics = [#tpu.dimension_semantics<arbitrary>], iteration_bounds = array<i64: 160>, scalar_prefetch = 0 : i64, scratch_operands = 0 : i64, tpu.core_type = #tpu.core_type<tc>, window_params = [{transform_indices = @transform_0, window_bounds = array<i64: 2000, 16>}, {pipeline_mode = #tpu.pipeline_mode<synchronous>, transform_indices = @transform_1, window_bounds = array<i64: 16, 128>}, {pipeline_mode = #tpu.pipeline_mode<synchronous>, transform_indices = @transform_2, window_bounds = array<i64: 1, 128>}, {pipeline_mode = #tpu.pipeline_mode<synchronous>, transform_indices = @transform_3, window_bounds = array<i64: 128, 128>}, {pipeline_mode = #tpu.pipeline_mode<synchronous>, transform_indices = @transform_4, window_bounds = array<i64: 1, 128>}, {transform_indices = @transform_5, window_bounds = array<i64: 2000, 128>}]} {
    %get3A = arith.constant 0 : index
    %get3A_0 = arith.constant 0 : index
    %get3A_1 = vector.load %arg1[%get3A, %get3A_0] : memref<2000x16xf32, #tpu.memory_space<vmem>>, vector<2000x16xf32>
    %get3A_2 = arith.constant 0 : index
    %get3A_3 = arith.constant 0 : index
    %get3A_4 = vector.load %arg2[%get3A_2, %get3A_3] : memref<16x128xf32, #tpu.memory_space<vmem>>, vector<16x128xf32>
    %dot_general3A = arith.constant dense<0.000000e+00> : vector<2000x128xf32>
    %dot_general3A_5 = tpu.matmul %get3A_1, %get3A_4, %dot_general3A {dimension_numbers = #tpu.dot_dimension_numbers<[1], [0], [0], [1], [0, 0, 1, 1], [], []>, transpose_lhs_hint = false} : vector<2000x16xf32>, vector<16x128xf32>, vector<2000x128xf32> -> vector<2000x128xf32>
    %get3A_6 = arith.constant 0 : index
    %get3A_7 = arith.constant 0 : index
    %get3A_8 = vector.load %arg3[%get3A_6, %get3A_7] : memref<1x128xf32, #tpu.memory_space<vmem>>, vector<1x128xf32>
    %add3A = vector.broadcast %get3A_8 : vector<1x128xf32> to vector<2000x128xf32>
    %add3A_9 = arith.addf %dot_general3A_5, %add3A : vector<2000x128xf32>
    %max3A = arith.constant 0.000000e+00 : f32
    %max3A_10 = vector.broadcast %max3A : f32 to vector<2000x128xf32>
    %max3A_11 = arith.maximumf %add3A_9, %max3A_10 : vector<2000x128xf32>
    %abs3A = math.absf %add3A_9 : vector<2000x128xf32>
    %neg3A = arith.constant 0.000000e+00 : f32
    %neg3A_12 = vector.broadcast %neg3A : f32 to vector<2000x128xf32>
    %neg3A_13 = arith.subf %neg3A_12, %abs3A : vector<2000x128xf32>
    %exp3A = math.exp %neg3A_13 : vector<2000x128xf32>
    %log1p3A = math.log1p %exp3A : vector<2000x128xf32>
    %add3A_14 = arith.addf %max3A_11, %log1p3A : vector<2000x128xf32>
    %sub3A = arith.constant 0.693147182 : f32
    %sub3A_15 = vector.broadcast %sub3A : f32 to vector<2000x128xf32>
    %sub3A_16 = arith.subf %add3A_14, %sub3A_15 : vector<2000x128xf32>
    %get3A_17 = arith.constant 0 : index
    %get3A_18 = arith.constant 0 : index
    %get3A_19 = vector.load %arg4[%get3A_17, %get3A_18] : memref<128x128xf32, #tpu.memory_space<vmem>>, vector<128x128xf32>
    %dot_general3A_20 = arith.constant dense<0.000000e+00> : vector<2000x128xf32>
    %dot_general3A_21 = tpu.matmul %sub3A_16, %get3A_19, %dot_general3A_20 {dimension_numbers = #tpu.dot_dimension_numbers<[1], [0], [0], [1], [0, 0, 1, 1], [], []>, transpose_lhs_hint = false} : vector<2000x128xf32>, vector<128x128xf32>, vector<2000x128xf32> -> vector<2000x128xf32>
    %get3A_22 = arith.constant 0 : index
    %get3A_23 = arith.constant 0 : index
    %get3A_24 = vector.load %arg5[%get3A_22, %get3A_23] : memref<1x128xf32, #tpu.memory_space<vmem>>, vector<1x128xf32>
    %add3A_25 = vector.broadcast %get3A_24 : vector<1x128xf32> to vector<2000x128xf32>
    %add3A_26 = arith.addf %dot_general3A_21, %add3A_25 : vector<2000x128xf32>
    %max3A_27 = arith.constant 0.000000e+00 : f32
    %max3A_28 = vector.broadcast %max3A_27 : f32 to vector<2000x128xf32>
    %max3A_29 = arith.maximumf %add3A_26, %max3A_28 : vector<2000x128xf32>
    %abs3A_30 = math.absf %add3A_26 : vector<2000x128xf32>
    %neg3A_31 = arith.constant 0.000000e+00 : f32
    %neg3A_32 = vector.broadcast %neg3A_31 : f32 to vector<2000x128xf32>
    %neg3A_33 = arith.subf %neg3A_32, %abs3A_30 : vector<2000x128xf32>
    %exp3A_34 = math.exp %neg3A_33 : vector<2000x128xf32>
    %log1p3A_35 = math.log1p %exp3A_34 : vector<2000x128xf32>
    %add3A_36 = arith.addf %max3A_29, %log1p3A_35 : vector<2000x128xf32>
    %sub3A_37 = arith.constant 0.693147182 : f32
    %sub3A_38 = vector.broadcast %sub3A_37 : f32 to vector<2000x128xf32>
    %sub3A_39 = arith.subf %add3A_36, %sub3A_38 : vector<2000x128xf32>
    %swap3A = arith.constant 0 : index
    %swap3A_40 = arith.constant 0 : index
    %swap3A_41 = vector.load %arg6[%swap3A, %swap3A_40] : memref<2000x128xf32, #tpu.memory_space<vmem>>, vector<2000x128xf32>
    tpu.vector_store %arg6[%swap3A, %swap3A_40], %sub3A_39 {strides = array<i32>} : memref<2000x128xf32, #tpu.memory_space<vmem>>, vector<2000x128xf32>,
    return
  }
  func.func @transform_0(%arg0: i32) -> (i32, i32) {
    %c0_i32 = arith.constant 0 : i32
    %c0_i32_0 = arith.constant 0 : i32
    return %arg0, %c0_i32 : i32, i32
  }
  func.func @transform_1(%arg0: i32) -> (i32, i32) {
    %c0_i32 = arith.constant 0 : i32
    %c0_i32_0 = arith.constant 0 : i32
    %c0_i32_1 = arith.constant 0 : i32
    return %c0_i32, %c0_i32_0 : i32, i32
  }
  func.func @transform_2(%arg0: i32) -> (i32, i32) {
    %c0_i32 = arith.constant 0 : i32
    %c0_i32_0 = arith.constant 0 : i32
    %c0_i32_1 = arith.constant 0 : i32
    return %c0_i32, %c0_i32_0 : i32, i32
  }
  func.func @transform_3(%arg0: i32) -> (i32, i32) {
    %c0_i32 = arith.constant 0 : i32
    %c0_i32_0 = arith.constant 0 : i32
    %c0_i32_1 = arith.constant 0 : i32
    return %c0_i32, %c0_i32_0 : i32, i32
  }
  func.func @transform_4(%arg0: i32) -> (i32, i32) {
    %c0_i32 = arith.constant 0 : i32
    %c0_i32_0 = arith.constant 0 : i32
    %c0_i32_1 = arith.constant 0 : i32
    return %c0_i32, %c0_i32_0 : i32, i32
  }
  func.func @transform_5(%arg0: i32) -> (i32, i32) {
    %c0_i32 = arith.constant 0 : i32
    %c0_i32_0 = arith.constant 0 : i32
    return %arg0, %c0_i32 : i32, i32
  }
}

module attributes {stable_mosaic.version = 14 : i64} {
  func.func @_combine_body(%arg0: i32, %arg1: memref<2x1000x128xf32, #tpu.memory_space<vmem>>, %arg2: memref<1000x128xf32, #tpu.memory_space<vmem>>, %arg3: memref<1000x128xf32, #tpu.memory_space<vmem>>) attributes {dimension_semantics = [#tpu.dimension_semantics<arbitrary>], iteration_bounds = array<i64: 10>, scalar_prefetch = 0 : i64, scratch_operands = 0 : i64, tpu.core_type = #tpu.core_type<tc>, window_params = [{transform_indices = @transform_0, window_bounds = array<i64: 2, 1000, 128>}, {transform_indices = @transform_1, window_bounds = array<i64: 1000, 128>}, {transform_indices = @transform_2, window_bounds = array<i64: 1000, 128>}]} {
    %get3A = arith.constant 0 : index
    %get3A_0 = arith.constant 0 : index
    %get3A_1 = arith.constant 0 : index
    %get3A_2 = vector.load %arg1[%get3A, %get3A_0, %get3A_1] : memref<2x1000x128xf32, #tpu.memory_space<vmem>>, vector<1x1000x128xf32>
    %get3A_3 = vector.shape_cast %get3A_2 : vector<1x1000x128xf32> to vector<1000x128xf32>
    %get3A_4 = arith.constant 1 : index
    %get3A_5 = arith.constant 0 : index
    %get3A_6 = arith.constant 0 : index
    %get3A_7 = vector.load %arg1[%get3A_4, %get3A_5, %get3A_6] : memref<2x1000x128xf32, #tpu.memory_space<vmem>>, vector<1x1000x128xf32>
    %get3A_8 = vector.shape_cast %get3A_7 : vector<1x1000x128xf32> to vector<1000x128xf32>
    %add3A = arith.addf %get3A_3, %get3A_8 : vector<1000x128xf32>
    %get3A_9 = arith.constant 0 : index
    %get3A_10 = arith.constant 0 : index
    %get3A_11 = vector.load %arg2[%get3A_9, %get3A_10] : memref<1000x128xf32, #tpu.memory_space<vmem>>, vector<1000x128xf32>
    %sub3A = arith.subf %add3A, %get3A_11 : vector<1000x128xf32>
    %swap3A = arith.constant 0 : index
    %swap3A_12 = arith.constant 0 : index
    %swap3A_13 = vector.load %arg3[%swap3A, %swap3A_12] : memref<1000x128xf32, #tpu.memory_space<vmem>>, vector<1000x128xf32>
    tpu.vector_store %arg3[%swap3A, %swap3A_12], %sub3A {strides = array<i32>} : memref<1000x128xf32, #tpu.memory_space<vmem>>, vector<1000x128xf32>,
    return
  }
  func.func @transform_0(%arg0: i32) -> (i32, i32, i32) {
    %c0_i32 = arith.constant 0 : i32
    %c0_i32_0 = arith.constant 0 : i32
    %c0_i32_1 = arith.constant 0 : i32
    return %c0_i32, %arg0, %c0_i32_0 : i32, i32, i32
  }
  func.func @transform_1(%arg0: i32) -> (i32, i32) {
    %c0_i32 = arith.constant 0 : i32
    %c0_i32_0 = arith.constant 0 : i32
    return %arg0, %c0_i32 : i32, i32
  }
  func.func @transform_2(%arg0: i32) -> (i32, i32) {
    %c0_i32 = arith.constant 0 : i32
    %c0_i32_0 = arith.constant 0 : i32
    return %arg0, %c0_i32 : i32, i32
  }
}

</mosaic_0001>

<sc_bundles>
// kernel: kernel.5.cloned.1.call-start
scs
__scs_entry_jumppad:
0x0: {  	(pc) =	sbr.rel $0x88, $3  }
0x1: {  	(tag) =	ssettag $0x0;
	lr =	simm.s32 $0x1  }
0x2: {  	[smem:$0x3F9A] =	sst lr;
	_ =	strace $0xD0000000  }
0x3: {  	_ = 	snop  }
0x4: {  	_ = 	snop  }
0x5: {  	_ = 	snop  }
0x6: {  	_ = 	snop  }
0x7: {  	_ = 	snop  }
__scs_overlays_trampoline_lowered:
0x8: {  	[smem:$0x3FA9] =	sst s0  }
0x9: {  	[smem:$0x3FAA] =	sst s1  }
0xa: {  	[smem:$0x3FAB] =	sst s2  }
0xb: {  	[smem:$0x3FAC] =	sst s3  }
0xc: {  	[smem:$0x3FAD] =	sst s4  }
0xd: {  	[smem:$0x3FAE] =	sst s5  }
0xe: {  	[smem:$0x3FAF] =	sst s6  }
0xf: {  	[smem:$0x3FB0] =	sst s7  }
0x10: {  	[smem:$0x3FB1] =	sst s8  }
0x11: {  	[smem:$0x3FB2] =	sst s9;
	s0 =	simm.s32 @!p0 $0x0  }
0x12: {  	s1 =	sld [smem:$0x3F98];
	s0 =	simm.s32 @p0 $0x1  }
0x13: {  	[smem:$0x3FB3] =	sst s0;
	s0 =	simm.s32 @!p1 $0x0  }
0x14: {  	s2 =	sld [smem:$0x3F97];
	s0 =	simm.s32 @p1 $0x1  }
0x15: {  	[smem:$0x3FB4] =	sst s0;
	s0 =	simm.s32 @!p2 $0x0  }
0x16: {  	s3 =	sld [smem:$0x3FDB];
	s0 =	simm.s32 @p2 $0x1  }
0x17: {  	s4 =	simm.s32 $0x1BF5;
	[smem:$0x3FB6] =	sst s0  }
0x18: {  	s0 =	sld [smem:$0x3F99];
	_ =	swait.ge [sflag:s4], $0x0  }
0x19: {  	s7 =	sld [smem:$0x3F9A]  }
0x1a: {  	s8 =	sadd.s32 $0xFFFFE003, lr  }
0x1b: {  	s9 =	sadd.s32 $0xFFFFFEF7, lr;
	s5 =	simm.s32 $0xFFFFFFFF;
	p2 =	slt.u32 s8, $0xFFFFF086  }
0x1c: {  	p1 =	slt.u32 s9, $0xF7A;
	s5 =	simm.s32 @!p2 $0x0  }
0x1d: {  	s5 =	simm.s32 @p1 $0x1;
	p0 =	seq.s32 s7, s2  }
0x1e: {  	s7 =	smul.u32 @!p0 $0xF7A, s2;
	p2 =	seq.s32 @!p0 s5, $0x0  }
0x1f: {  	s9 =	smul.u32 $0xF7A, s1;
	s8 =	simm.s32 @!p0 $0x1BF5;
	p2 =	por !p2, p0  }
0x20: {  	[sflag:s8] =	ssyncset.s32 @!p0 $0xFFFFF086;
	s6 =	sadd.s32 @!p0 s3, s7;
	s7 =	simm.s32 @!p0 $0x108  }
0x21: {  	s3 =	sadd.s32 s3, s9;
	s6 =	sadd.s32 @!p0 $0x88, s6;
	s7 =	simm.s32 @p2 $0x1082  }
0x22: {  	[simem:s7], [sflag:s8] =	dma.local @!p0 [hbm:s6], $0xF7A  }
0x23: {  	s9 =	sor.u32 $0xD0000000, s2;
	s6 =	simm.s32 $0x108;
	_ =	swait.ge @!p0 [sflag:s8], $0x0  }
0x24: {  	s3 =	sadd.s32 $0x88, s3;
	s6 =	simm.s32 @!p1 $0x1082;
	[sflag:s4] =	ssyncset.s32 $0xFFFFF086  }
0x25: {  	[simem:s6], [sflag:s4] =	dma.local [hbm:s3], $0xF7A  }
0x26: {  	[smem:$0x3F9A] =	sst s1;
	(tag) =	ssettag s2;
	_ =	strace s9  }
0x27: {  	s1 =	sld [smem:$0x3FAA]  }
0x28: {  	s2 =	sld [smem:$0x3FAB]  }
0x29: {  	s4 =	sld [smem:$0x3FAD]  }
0x2a: {  	p0 =	seq.s32 s5, $0x0;
	s5 =	sld [smem:$0x3FAE]  }
0x2b: {  	s6 =	sld [smem:$0x3FAF]  }
0x2c: {  	s7 =	sld [smem:$0x3FB0]  }
0x2d: {  	s3 =	simm.s32 $0x108;
	s8 =	sld [smem:$0x3FB1]  }
0x2e: {  	s3 =	simm.s32 @!p0 $0x1082;
	s9 =	sld [smem:$0x3FB2]  }
0x2f: {  	lr =	sadd.s32 s0, s3;
	s0 =	sld [smem:$0x3FA9]  }
0x30: {  	s3 =	sld [smem:$0x3FAC]  }
0x31: {  	[smem:$0x3FB5] =	sst s10  }
0x32: {  	s10 =	sld [smem:$0x3FB3];
	_ =	sdelay $0x3  }
0x33: {  	p0 =	seq.s32 s10, $0x1;
	s10 =	sld [smem:$0x3FB5];
	_ =	sdelay $0x3  }
0x34: {  	[smem:$0x3FB5] =	sst s10  }
0x35: {  	s10 =	sld [smem:$0x3FB4];
	_ =	sdelay $0x3  }
0x36: {  	p1 =	seq.s32 s10, $0x1;
	s10 =	sld [smem:$0x3FB5];
	_ =	sdelay $0x3  }
0x37: {  	[smem:$0x3FB5] =	sst s10  }
0x38: {  	s10 =	sld [smem:$0x3FB6]  }
0x39: {  	_ = 	snop;
	(pc) =	sbr.ind lr, $3  }
0x3a: {  	_ = 	snop  }
0x3b: {  	_ = 	snop  }
0x3c: {  	p2 =	seq.s32 s10, $0x1;
	s10 =	sld [smem:$0x3FB5]  }
0x3d: {  	_ =	shalt  }
0x3e: {  	_ =	shalt  }
0x3f: {  	_ =	shalt  }
0x40: {  	_ =	shalt  }
0x41: {  	_ =	shalt  }
0x42: {  	_ =	shalt  }
0x43: {  	_ =	shalt  }
0x44: {  	_ =	shalt  }
0x45: {  	_ =	shalt  }
0x46: {  	_ =	shalt  }
0x47: {  	_ =	shalt  }
0x48: {  	_ =	shalt  }
0x49: {  	_ =	shalt  }
0x4a: {  	_ =	shalt  }
0x4b: {  	_ =	shalt  }
0x4c: {  	_ =	shalt  }
0x4d: {  	_ =	shalt  }
0x4e: {  	_ =	shalt  }
0x4f: {  	_ =	shalt  }
0x50: {  	_ =	shalt  }
0x51: {  	_ =	shalt  }
0x52: {  	_ =	shalt  }
0x53: {  	_ =	shalt  }
0x54: {  	_ =	shalt  }
0x55: {  	_ =	shalt  }
0x56: {  	_ =	shalt  }
0x57: {  	_ =	shalt  }
0x58: {  	_ =	shalt  }
0x59: {  	_ =	shalt  }
0x5a: {  	_ =	shalt  }
0x5b: {  	_ =	shalt  }
0x5c: {  	_ =	shalt  }
0x5d: {  	_ =	shalt  }
0x5e: {  	_ =	shalt  }
0x5f: {  	_ =	shalt  }
0x60: {  	_ =	shalt  }
0x61: {  	_ =	shalt  }
0x62: {  	_ =	shalt  }
0x63: {  	_ =	shalt  }
0x64: {  	_ =	shalt  }
0x65: {  	_ =	shalt  }
0x66: {  	_ =	shalt  }
0x67: {  	_ =	shalt  }
0x68: {  	_ =	shalt  }
0x69: {  	_ =	shalt  }
0x6a: {  	_ =	shalt  }
0x6b: {  	_ =	shalt  }
0x6c: {  	_ =	shalt  }
0x6d: {  	_ =	shalt  }
0x6e: {  	_ =	shalt  }
0x6f: {  	_ =	shalt  }
0x70: {  	_ =	shalt  }
0x71: {  	_ =	shalt  }
0x72: {  	_ =	shalt  }
0x73: {  	_ =	shalt  }
0x74: {  	_ =	shalt  }
0x75: {  	_ =	shalt  }
0x76: {  	_ =	shalt  }
0x77: {  	_ =	shalt  }
0x78: {  	_ =	shalt  }
0x79: {  	_ =	shalt  }
0x7a: {  	_ =	shalt  }
0x7b: {  	_ =	shalt  }
0x7c: {  	_ =	shalt  }
0x7d: {  	_ =	shalt  }
0x7e: {  	_ =	shalt  }
0x7f: {  	_ =	shalt  }
0x80: {  	_ =	shalt  }
0x81: {  	_ =	shalt  }
0x82: {  	_ =	shalt  }
0x83: {  	_ =	shalt  }
0x84: {  	_ =	shalt  }
0x85: {  	_ =	shalt  }
0x86: {  	_ =	shalt  }
0x87: {  	_ =	shalt  }
.Lfunc_end0:
.L_simem_size_0:
called_computation_lowered:
.L_overlay_start_0:
0x88: {  	s2 =	sld [smem:$0x3FD9]  }
0x89: {  	s3 =	sld [smem:$0x3FFE];
	_ =	sdelay $0x1  }
0x8a: {  	s1 =	srdreg.scid  }
0x8b: {  	s0 =	sand.u32 $0x1, s1  }
0x8c: {  	s17 =	sshll.u32 s0, $0xA;
	s2 =	sadd.s32 s3, s2  }
0x8d: {  	s2 =	sadd.s32 s2, s17  }
0x8e: {  	[smem:$0x3FC1] =	sst s2  }
0x8f: {  	_ = 	snop  }
0x90: {  	s2 =	sld [smem:$0x3FC9]  }
0x91: {  	s18 =	sld [smem:$0x3FD0];
	(tm) =	ssettm $0x1  }
0x92: {  	s4 =	sld [smem:$0x3FFB];
	_ =	sdelay $0x3  }
0x93: {  	_ =	strace s4  }
0x94: {  	s4 =	sld [smem:$0x3FFC];
	_ =	sdelay $0x3  }
0x95: {  	_ =	strace s4  }
0x96: {  	s4 =	sld [smem:$0x3FFD];
	_ =	sdelay $0x3  }
0x97: {  	_ =	strace s4  }
0x98: {  	_ =	strace $0x8FFFFFFF  }
0x99: {  	s19 =	sld [smem:$0x3FDB];
	_ =	sdelay $0x1  }
0x9a: {  	s5 =	simm.s32 $_scs_section_size  }
0x9b: {  	s6 =	simm.s32 $_size__tile_overlayer_lowered;
	s7 =	simm.s32 $_tile_overlayer_lowered  }
0x9c: {  	s22 =	simm.s32 $0x1BFF;
	s21 =	sshll.u32 s7, $0x1;
	s4 =	sadd.s32 s5, s19  }
0x9d: {  	s8 =	simm.s32 $0x0;
	s20 =	sshll.u32 s6, $0x1;
	s6 =	sadd.s32 s21, s4  }
0x9e: {  	[timem:s8], [sflag:s22] =	dma.local [hbm:s6], s20  }
0x9f: {  	_ =	swait.ge [sflag:s22], s20  }
0xa0: {  	s5 =	ssub.s32 $0x0, s20;
	[sflag:s22] =	ssyncset.done $0x0  }
0xa1: {  	[sflag:s22] =	ssyncadd.s32 s5;
	_ =	sdelay $0x1  }
0xa2: {  	s23 =	simm.s32 $0x1B8B  }
0xa3: {  	_ =	swait.ge [sflag:s23], $0x1  }
0xa4: {  	[sflag:s23] =	ssyncset.done $0x0  }
0xa5: {  	s25 =	simm.s32 $0x1B8E;
	s24 =	sld [smem:$0x3FFE];
	[sflag:s23] =	ssyncadd.s32 $0xFFFFFFFF  }
0xa6: {  	s26 =	simm.s32 $execute0_lowered;
	[smem:$0x3FD2] =	sst s25  }
0xa7: {  	s6 =	sshll.u32 s26, $0x1;
	_ =	strace $0x80000046;
	[dreg:$0x1] =	wrdreg $0xFFFFFFFF  }
0xa8: {  	s28 =	simm.s32 $_size_execute0_lowered;
	s4 =	sadd.s32 s4, s6;
	[dreg:$0x0] =	wrdreg $0x0  }
0xa9: {  	s6 =	sshll.u32 s28, $0x1;
	[dreg:$0x2] =	wrdreg s4  }
0xaa: {  	[dreg:$0x3] =	wrdreg s6  }
0xab: {  	[dreg:$0x4] =	wrdreg $0xC0  }
0xac: {  	_ =	task [dreg:s8], $0x5FFFF  }
0xad: {  	[dreg:$0x1] =	wrdreg $0xFFFFFFFF  }
0xae: {  	[dreg:$0x0] =	wrdreg $0x60  }
0xaf: {  	[dreg:$0x2] =	wrdreg s2  }
0xb0: {  	[dreg:$0x3] =	wrdreg s24  }
0xb1: {  	[dreg:$0x4] =	wrdreg s18  }
0xb2: {  	[dreg:$0x5] =	wrdreg $0x91000  }
0xb3: {  	[dreg:$0x6] =	wrdreg $0x9  }
0xb4: {  	_ =	task.clear_ibuf [dreg:s8], $0x7FFFF;
	_ =	strace $0x90000046  }
0xb5: {  	s29 =	simm.s32 $0x9;
	_ =	strace $0x80000048  }
0xb6: {  	_ =	swait.ge [sflag:s29], $0x1  }
0xb7: {  	[sflag:s29] =	ssyncadd.s32 $0xFFFFFFFF  }
0xb8: {  	_ =	strace $0x90000048  }
0xb9: {  	_ =	sfence  }
0xba: {  	s30 =	sld [smem:$0x0];
	_ =	sdelay $0x2  }
0xbb: {  	s31 =	sshll.u32 s1, $0xD;
	s1 =	sshrl.u32 s1, $0x2  }
0xbc: {  	s3 =	sand.u32 $0x4000, s31;
	s1 =	sadd.s32 s1, s30  }
0xbd: {  	s0 =	sor.u32 s3, s0;
	s1 =	sshll.u32 s1, $0x11  }
0xbe: {  	s0 =	sor.u32 s1, s0  }
0xbf: {  	s0 =	sadd.s32 $0x8F2B, s0  }
0xc0: {  	[sflag:s0] =	ssyncadd.remote.s32 $0x1  }
0xc1: {  	_ =	sfence.sel $0xFFFF  }
0xc2: {  	[dreg:$0x0] =	wrdreg $0xFFFFFFFF;
	(pc) =	sbr.abs _section_cstart, $3  }
0xc3: {  	[dreg:$0x1] =	wrdreg $0xFFFFFFFF  }
0xc4: {  	_ =	task.clear_ibuf [dreg:s8], $0x2FFFF;
	_ =	strace $0x9FFFFFFF  }
0xc5: {  	(tm) =	ssettm $0x7FFFFFFF  }
tec
execute0_lowered:
.L_overlay_start_1:
0x0: {  	(tag) =	ssettag $0x1  }
0x1: {  	s1 =	rddreg [dreg:$0x0]  }
0x2: {  	s5 =	rddreg [dreg:$0x1]  }
0x3: {  	s9 =	rddreg [dreg:$0x2]  }
0x4: {  	s2 =	rddreg [dreg:$0x3]  }
0x5: {  	s0 =	rddreg [dreg:$0x4]  }
0x6: {  	s3 =	simm.s32 $0x0;
	s4 =	srdreg.scid;
	s14 =	stileid.u32  }
0x7: {  	s19 =	simm.s32 $0x3;
	s20 =	simm.s32 $0x50;
	s21 =	simm.s32 $0x4100  }
0x8: {  	s22 =	simm.s32 $0x2;
	s23 =	simm.s32 $0x1;
	[smem:$0x7FF] =	sst s3  }
0x9: {  	s7 =	sand.u32 $0x1, s4;
	s6 =	sshll.u32 s14, $0x1;
	s11 =	smul.u32 $0x4E000, s14  }
0xa: {  	s4 =	sadd.s32 $0x4F2A00, s5;
	s15 =	smul.u32 $0x13800, s14;
	s16 =	sadd.s32 $0xA00, s5  }
0xb: {  	s28 =	sshll.u32 s14, $0x6;
	s18 =	sadd.s32 $0x138000, s2;
	p0 =	sne.s32 s14, $0x0  }
0xc: {  	_ =	strace $0x80000047;
	s8 =	sor.u32 s7, s6;
	s24 =	ssub.s32 $0x2, s7  }
0xd: {  	s6 =	sor.u32 $0x1C04, s28;
	s29 =	smul.u32 $0x138800, s7;
	s7 =	sadd.s32 $0x27000, s1  }
0xe: {  	s10 =	sshll.u32 s8, $0xB;
	s13 =	sshrl.u32 s24, $0x1;
	s25 =	sshrl.u32 s11, $0x2  }
0xf: {  	s26 =	sshrl.u32 s15, $0x3;
	s8 =	smul.u32 $0x7D, s8;
	s12 =	sadd.s32 s10, s5  }
0x10: {  	s13 =	ssub.s32 s24, s13;
	s17 =	sadd.s32 s25, s2;
	s5 =	sadd.s32 s1, s26  }
0x11: {  	s9 =	sadd.s32 s9, s10;
	s15 =	sadd.s32 s15, s29;
	s11 =	sshrl.u32 s29, $0x3  }
0x12: {  	s24 =	simm.s32 $0x0;
	s10 =	sadd.s32 $0x4E2A00, s12;
	s30 =	sshrl.u32 s15, $0x3  }
0x13: {  	s31 =	sadd.s32 s16, s11;
	s13 =	smax.u32 s13, $0x1;
	s14 =	sshrl.u32 s17, $0x3  }
0x14: {  	s15 =	simm.s32 $0x4;
	s17 =	simm.s32 $0x4000;
	s11 =	sadd.s32 s16, s30  }
0x15: {  	s12 =	sadd.s32 $0x27000, s31;
	s16 =	sshrl.u32 @!p0 s18, $0x3;
	s18 =	simm.s32 $0x6900  }
.LBB2_1:
0x16: {  	[spmem:s14], [sflag:s6] =	dma.local [hbm:s5], $0x2700  }
0x17: {  	_ =	swait.ge [sflag:s15], $0x2700  }
0x18: {  	[sflag:s15] =	ssyncset.done $0x0  }
0x19: {  	s25 =	simm.s32 @!p0 $0x4;
	[sflag:s15] =	ssyncadd.s32 $0xFFFFD900  }
0x1a: {  	[spmem:s16], [sflag:s6] =	dma.local @!p0 [hbm:s7], $0x100  }
0x1b: {  	_ =	swait.ge @!p0 [sflag:s25], $0x100  }
0x1c: {  	[sflag:s25] =	ssyncset.done @!p0 $0x0  }
0x1d: {  	[sflag:s25] =	ssyncadd.s32 @!p0 $0xFFFFFF00  }
0x1e: {  	[tilespmem:s3], [sflag:$0x4] =	stream.linear.gather [hbm4b:s9+s3], $0x3E80, $0x38;
	[tilespmem:$0x1C980] =	vst v63  }
0x1f: {  	_ =	swait.ge [sflag:s15], $0x3E80  }
0x20: {  	[sflag:s15] =	ssyncset.done $0x0  }
0x21: {  	[sflag:s15] =	ssyncadd.s32 $0xFFFFC180  }
0x22: {  	[tilespmem:s17], [sflag:$0x3] =	stream.linear.gather [hbm4b:s10+s3], $0x80, $0x38;
	[tilespmem:$0x1C980] =	vst v63  }
0x23: {  	s25 =	simm.s32 $0x0;
	[bflag:$0x0] =	sbarrier.arrive $0xFFFF  }
.LBB2_2:
0x24: {  	s26 =	sadd.s32 s8, s25  }
0x25: {  	s26 =	smul.u32 $0x500, s26;
	_ =	sdelay $0x1  }
0x26: {  	p1 =	seq.s32 s25, $0x7C;
	s26 =	sadd.s32 s4, s26  }
0x27: {  	[tilespmem:s18], [sflag:$0x2] =	stream.linear.gather [hbm4b:s26+s3], $0x2800, $0x38;
	[tilespmem:$0x1C980] =	vst v63  }
0x28: {  	s28 =	sand.u32 $0x1, s25;
	s26 =	sshll.u32 @!p1 s25, $0x4  }
0x29: {  	s29 =	sshll.u32 s28, $0x7;
	s28 =	sshll.u32 @!p1 s28, $0x7;
	s26 =	sadd.s32 @!p1 $0x10, s26  }
0x2a: {  	s28 =	sxor.u32 @!p1 $0x4080, s28;
	_ =	swait.ge [sflag:s19], $0x80;
	s30 =	sand.u32 @!p1 $0xF80, s26  }
0x2b: {  	[sflag:s19] =	ssyncset.done $0x0;
	s26 =	sand.u32 @!p1 $0x70, s26;
	s30 =	sadd.s32 @!p1 s30, s10  }
0x2c: {  	[sflag:s19] =	ssyncadd.s32 $0xFFFFFF80;
	s26 =	sadd.s32 @!p1 s26, s30;
	s30 =	simm.s32 @!p1 $0x0  }
0x2d: {  	[tilespmem:s28], [sflag:$0x3] =	stream.linear.gather @!p1 [hbm4b:s26+s30], $0x80, $0x38;
	[tilespmem:$0x1C980] =	vst v63  }
0x2e: {  	s31 =	sor.u32 $0x4000, s29  }
0x2f: {  	[tilespmem:s21], [sflag:$0x1] =	stream.indirect.gather [hbm4b:s1+s20], $0x80, s31, s20, $0xb8;
	[tilespmem:$0x1C980] =	vst v63  }
0x30: {  	_ =	swait.ge [sflag:s22], $0x2800  }
0x31: {  	[sflag:s22] =	ssyncset.done $0x0  }
0x32: {  	[sflag:s22] =	ssyncadd.s32 $0xFFFFD800  }
0x33: {  	_ =	swait.ge [sflag:s23], $0x2800  }
0x34: {  	[sflag:s23] =	ssyncset.done $0x0  }
0x35: {  	s26 =	simm.s32 $0x0;
	[sflag:s23] =	ssyncadd.s32 $0xFFFFD800  }
0x36: {  	v7 =	vld [tilespmem:s26+$0x6900]  }
0x37: {  	v11 =	vld [tilespmem:s26+$0x6910]  }
0x38: {  	v5 =	vld [tilespmem:s26+$0x6920]  }
0x39: {  	v4 =	vld [tilespmem:s26+$0x6930]  }
0x3a: {  	v3 =	vld [tilespmem:s26+$0x6940]  }
0x3b: {  	v2 =	vld [tilespmem:s26+$0x6950]  }
0x3c: {  	v1 =	vld [tilespmem:s26+$0x6960]  }
0x3d: {  	v0 =	vld [tilespmem:s26+$0x6970]  }
0x3e: {  	v12 =	vld [tilespmem:s26+$0x4100]  }
0x3f: {  	v13 =	vld [tilespmem:s26+$0x4110]  }
0x40: {  	v10 =	vld [tilespmem:s26+$0x4120]  }
0x41: {  	v9 =	vld [tilespmem:s26+$0x4130]  }
0x42: {  	v8 =	vld [tilespmem:s26+$0x4140]  }
0x43: {  	v6 =	vld [tilespmem:s26+$0x4150];
	v12 =	vmul.f32 v7, v12  }
0x44: {  	s28 =	simm.s32 $0x200;
	v11 =	vmul.f32 v11, v13;
	v7 =	vld [tilespmem:s26+$0x4160]  }
.LBB2_3:
0x45: {  	s29 =	sshra.s32 s28, $0x2;
	p1 =	sne.s32 s28, $0x9E00;
	[tilespmem:s26+$0x4100] =	vst v12;
	v5 =	vmul.f32 v5, v10;
	v10 =	vld [tilespmem:s26+$0x4170]  }
0x46: {  	v12 =	vld [tilespmem:s29+$0x6900];
	[tilespmem:s26+$0x4110] =	vst v11;
	v4 =	vmul.f32 v4, v9  }
0x47: {  	v11 =	vld [tilespmem:s29+$0x6910];
	[tilespmem:s26+$0x4120] =	vst v5;
	v3 =	vmul.f32 v3, v8  }
0x48: {  	v5 =	vld [tilespmem:s29+$0x6920];
	[tilespmem:s26+$0x4130] =	vst v4;
	v2 =	vmul.f32 v2, v6  }
0x49: {  	v4 =	vld [tilespmem:s29+$0x6930];
	[tilespmem:s26+$0x4140] =	vst v3;
	v1 =	vmul.f32 v1, v7  }
0x4a: {  	v3 =	vld [tilespmem:s29+$0x6940];
	[tilespmem:s26+$0x4150] =	vst v2;
	v0 =	vmul.f32 v0, v10  }
0x4b: {  	v2 =	vld [tilespmem:s29+$0x6950];
	[tilespmem:s26+$0x4160] =	vst v1  }
0x4c: {  	v1 =	vld [tilespmem:s29+$0x6960];
	[tilespmem:s26+$0x4170] =	vst v0;
	s26 =	smov.u32 s29  }
0x4d: {  	v0 =	vld [tilespmem:s26+$0x6970]  }
0x4e: {  	v6 =	vld [tilespmem:s26+$0x4100]  }
0x4f: {  	v7 =	vld [tilespmem:s26+$0x4110]  }
.Ltmp0:
0x50: {  	v10 =	vld [tilespmem:s26+$0x4120];
	(pc) =	sbr.rel @p1 .LBB2_3-.Ltmp0, $4  }
0x51: {  	v9 =	vld [tilespmem:s26+$0x4130]  }
0x52: {  	v8 =	vld [tilespmem:s26+$0x4140]  }
0x53: {  	v12 =	vmul.f32 v12, v6;
	v6 =	vld [tilespmem:s26+$0x4150]  }
0x54: {  	s28 =	sadd.s32 $0x200, s28;
	v11 =	vmul.f32 v11, v7;
	v7 =	vld [tilespmem:s26+$0x4160]  }
0x55: {  	[tilespmem:s26+$0x4100] =	vst v12;
	v5 =	vmul.f32 v5, v10;
	v63 =	vld [tilespmem:s26+$0x4170]  }
0x56: {  	[tilespmem:s26+$0x4110] =	vst v11;
	v4 =	vmul.f32 v4, v9  }
0x57: {  	[tilespmem:s26+$0x4120] =	vst v5;
	v3 =	vmul.f32 v3, v8  }
0x58: {  	[tilespmem:s26+$0x4130] =	vst v4;
	v2 =	vmul.f32 v2, v6  }
0x59: {  	[tilespmem:s26+$0x4140] =	vst v3;
	v1 =	vmul.f32 v1, v7  }
0x5a: {  	s28 =	sshll.u32 s25, $0x7;
	s25 =	sadd.s32 $0x1, s25;
	[tilespmem:s26+$0x4150] =	vst v2;
	v0 =	vmul.f32 v0, v63  }
0x5b: {  	p1 =	sne.s32 s25, $0x7D;
	[tilespmem:s26+$0x4160] =	vst v1  }
.Ltmp1:
0x5c: {  	s31 =	sand.u32 $0x3FFFFF80, s28;
	[tilespmem:s26+$0x4170] =	vst v0;
	(pc) =	sbr.rel @p1 .LBB2_2-.Ltmp1, $4  }
0x5d: {  	[spmem:s2] =	stream.indirect.scatter.add.f32 [tilespmem:s21], [sflag:$0x4], $0x80, s31, s20, $0xb8;
	[tilespmem:$0x1C980] =	vst v63  }
0x5e: {  	_ =	swait.ge [sflag:s15], $0x2800  }
0x5f: {  	[sflag:s15] =	ssyncset.done $0x0  }
0x60: {  	[sflag:s15] =	ssyncadd.s32 $0xFFFFD800  }
0x61: {  	[bflag:$0x0] =	sbarrier.arrive $0xFFFF  }
0x62: {  	[hbm:s11], [sflag:s6] =	dma.local [spmem:s14], $0x2700  }
0x63: {  	s24 =	sadd.s32 $0x1, s24;
	_ =	swait.ge [sflag:s15], $0x2700  }
0x64: {  	p1 =	sne.s32 s24, s13;
	[sflag:s15] =	ssyncset.done $0x0  }
.Ltmp2:
0x65: {  	s25 =	simm.s32 @!p0 $0x4;
	[sflag:s15] =	ssyncadd.s32 $0xFFFFD900;
	(pc) =	sbr.rel @p1 .LBB2_1-.Ltmp2, $4  }
0x66: {  	[hbm:s12], [sflag:s6] =	dma.local @!p0 [spmem:s16], $0x100  }
0x67: {  	_ =	swait.ge @!p0 [sflag:s25], $0x100  }
0x68: {  	[sflag:s25] =	ssyncset.done @!p0 $0x0  }
0x69: {  	[sflag:s25] =	ssyncadd.s32 @!p0 $0xFFFFFF00  }
0x6a: {  	_ =	sfence.sel $0x180000  }
0x6b: {  	[bflag:$0x0] =	sbarrier.arrive $0xFFFF  }
0x6c: {  	_ =	strace $0x90000047  }
0x6d: {  	s0 =	sadd.s32 @!p0 $0x100000, s0;
	[bflag:$0x2] =	sbarrier.arrive $0xFFFF  }
0x6e: {  	[sflag:s0] =	ssyncadd.tile.s32 @!p0 $0x1;
	_ =	shalt  }
.Lfunc_end2:
_tile_overlayer_lowered:
.L_overlay_start_2:
0x6f: {  	(tag) =	ssettag $0x2  }
0x70: {  	s0 =	rddreg [dreg:$0x0];
	s2 =	stileid.u32  }
0x71: {  	s1 =	rddreg [dreg:$0x1];
	p0 =	sne.s32 s2, $0x0  }
0x72: {  	s3 =	rddreg [dreg:$0x2];
	[bflag:$0x3] =	sbarrier.arrive $0xFFFF;
	s2 =	simm.s32 @!p0 $0x1C04  }
0x73: {  	[timem:s3], [sflag:s2] =	dma.local @!p0 [hbm:s0], s1  }
0x74: {  	s0 =	simm.s32 @!p0 $0x4  }
0x75: {  	_ =	swait.ge @!p0 [sflag:s0], s1  }
0x76: {  	s1 =	ssub.s32 @!p0 $0x0, s1;
	[sflag:s0] =	ssyncset.done @!p0 $0x0  }
0x77: {  	[sflag:s0] =	ssyncadd.s32 @!p0 s1  }
0x78: {  	[bflag:$0x3] =	sbarrier.arrive $0xFFFF  }
0x79: {  	_ =	shalt  }

</sc_bundles>
